<compile_context>
chip_gen: v7x
topology: tpu7x:2x2x1
jax: 0.10.2.dev20260603
libtpu: 0.0.44.dev20260713+nightly
codegen_flags: <defaults>
</compile_context>

<pallas_src>
import functools

import jax
import jax.numpy as jnp
from jax import lax
from jax.experimental import pallas as pl
from jax.experimental.pallas import tpu as pltpu
from jax.experimental.pallas import tpu_sc as plsc

_SPAN = 64
_B = 16
_S = 2048
_L = 16
_NV = _S // _L


def _bcast_last(x):
    idx = jnp.full((_L,), _L - 1, dtype=jnp.int32)
    return x.at[idx].get(mode="promise_in_bounds")


_mesh = plsc.VectorSubcoreMesh(core_axis_name="c", subcore_axis_name="s", num_cores=1)


@functools.partial(
    pl.kernel,
    mesh=_mesh,
    out_type=jax.ShapeDtypeStruct((_B, _S), jnp.int32),
    compiler_params=pltpu.CompilerParams(needs_layout_passes=False),
    scratch_types=[
        pltpu.VMEM((_S,), jnp.int32),
        pltpu.VMEM((_S,), jnp.int32),
    ],
)
def _seg_kernel(mask_hbm, out_hbm, m_buf, seg_buf):
    w = lax.axis_index("s")

    @pl.when(w < _B)
    def _():
        pltpu.sync_copy(mask_hbm.at[w], m_buf)
        lane = lax.iota(jnp.int32, _L)
        lane1_u = (lane + 1).astype(jnp.uint32)

        def step(i, cur, prv, boundary0, carries):
            rs_c, cid_c, lc_c = carries
            t1 = lane1_u + jnp.uint32(i * _L)
            change = cur != prv
            boundary = change | boundary0 if boundary0 is not None else change
            bidx = jnp.where(boundary, t1, jnp.uint32(0))
            rs = jnp.maximum(plsc.cummax(bidx), rs_c)
            cb = ((t1 - rs) & (_SPAN - 1)) == 0
            cid = plsc.cumsum(jnp.where(cb, jnp.int32(1), jnp.int32(0))) + cid_c
            lc = jnp.maximum(lc_c, bidx)
            seg_buf[pl.ds(i * _L, _L)] = cid
            return (_bcast_last(rs), _bcast_last(cid), lc)

        zeros_u = jnp.zeros((_L,), jnp.uint32)
        neg1 = jnp.full((_L,), -1, jnp.int32)
        cur0 = m_buf[pl.ds(0, _L)]
        prv0 = cur0.at[jnp.maximum(lane - 1, 0)].get(mode="promise_in_bounds")
        carries = step(0, cur0, prv0, lane == 0, (zeros_u, neg1, zeros_u))

        @plsc.parallel_loop(1, _NV, carry=carries, unroll=4)
        def loop_carry(i, carries):
            cur = m_buf[pl.ds(i * _L, _L)]
            prv = m_buf[pl.ds(i * _L - 1, _L)]
            return step(i, cur, prv, None, carries)

        _, _, lc_f = loop_carry

        last_vreg = m_buf[pl.ds(_S - _L, _L)]
        keep_last = jnp.max(jnp.where(lane == _L - 1, last_vreg, jnp.int32(0)))
        extent = jnp.where(keep_last == 1, jnp.int32(_S),
                           jnp.max(lc_f).astype(jnp.int32))

        @plsc.parallel_loop(extent // _L, _NV)
        def _fix(i):
            t = lane + i * _L
            v = seg_buf[pl.ds(i * _L, _L)]
            seg_buf[pl.ds(i * _L, _L)] = jnp.where(t < extent, v, jnp.int32(-1))

        pltpu.sync_copy(seg_buf, out_hbm.at[w])


def kernel(inp, padding_mask, regular_tokens_mask):
    del inp, padding_mask
    return _seg_kernel(regular_tokens_mask)

# --- scband reference (transcript-rebuilt; emitter-appended) ---
"""Pipeline reference for scband-hard-span-chunker-14413910245438 (READ-ONLY COPY).

The authoritative reference and input builder live on the scoring server;
editing this copy changes nothing except your own understanding.
"""

import jax, jax.numpy as jnp
import numpy as np

SPAN = 64

def _chunk_spans(m, span):
    # faithful port of the torch forward's per-row logic
    start_stop = [0]
    for i in range(1, len(m)):
        if m[i] != m[i - 1]:
            start_stop.append(i)
    if m[-1] == 1:
        start_stop.append(len(m))
    else:
        start_stop.append(max(start_stop) + 1)
    spans = []
    for i in range(len(start_stop) - 1):
        start = start_stop[i]
        stop = start_stop[i + 1]
        L_ = list(range(start, stop + 1, span))
        if max(L_) < stop:
            L_.append(stop)
        for j in range(len(L_) - 1):
            spans.append((L_[j], L_[j + 1]))
    return spans

def setup_inputs(seed: int = 0):
    key = jax.random.key(seed)
    k1, k2, k3 = jax.random.split(key, 3)
    inp = jax.random.normal(k1, (16, 2048, 512), dtype=jnp.float32)
    padding_mask = jax.random.randint(k2, (16, 2048), 0, 2, dtype=jnp.int32)
    regular_tokens_mask = jax.random.randint(k3, (16, 2048), 0, 2, dtype=jnp.int32)
    return {"inp": inp, "padding_mask": padding_mask, "regular_tokens_mask": regular_tokens_mask}

def reference(inp, padding_mask, regular_tokens_mask):
    # mask_special_tokens=True path: use regular_tokens_mask
    keep = (regular_tokens_mask == 1)
    B, S = keep.shape
    idx = jnp.arange(S, dtype=jnp.int32)
    # change[b, t] = True where the run value flips (t >= 1); position 0 is always a run start
    change = jnp.concatenate(
        [jnp.zeros((B, 1), dtype=bool), keep[:, 1:] != keep[:, :-1]], axis=1
    )
    boundary = change | (idx[None, :] == 0)
    # run_start[b, t] = most recent run boundary at or before t
    run_start = jax.lax.cummax(jnp.where(boundary, idx[None, :], -1), axis=1)
    # chunk boundaries: run starts plus every SPAN positions within a run
    chunk_boundary = ((idx[None, :] - run_start) % SPAN) == 0
    # covered extent: len(m) if m[-1] == 1, else max(start_stop) + 1 (last change index + 1)
    last_change = jnp.max(jnp.where(change, idx[None, :], 0), axis=1)
    extent = jnp.where(keep[:, -1], jnp.int32(S), last_change + 1)
    cid = jnp.cumsum(chunk_boundary, axis=1, dtype=jnp.int32) - 1
    seg = jnp.where(idx[None, :] < extent[:, None], cid, jnp.int32(-1))
    return seg.astype(jnp.int32)

if __name__ == "__main__":
    import jax
    _d = setup_inputs()
    print(jax.jit(kernel)(*tuple(_d.values())))

</pallas_src>

<mosaic_0001>
#map = affine_map<(d0, d1) -> (0, 0)>
module attributes {stable_mosaic.version = 14 : i64} {
  func.func @_seg_kernel(%arg0: i32, %arg1: i32, %arg2: memref<16x2048xi32, #tpu.memory_space<hbm>>, %arg3: memref<16x2048xi32, #tpu.memory_space<hbm>>, %arg4: memref<2048xi32, #tpu.memory_space<vmem>>, %arg5: memref<2048xi32, #tpu.memory_space<vmem>>) attributes {dimension_semantics = [#tpu.dimension_semantics<core_parallel>, #tpu.dimension_semantics<subcore_parallel>], iteration_bounds = array<i64: 1, 16>, scalar_prefetch = 0 : i64, scratch_operands = 2 : i64, tpu.core_type = #tpu.core_type<sc_vector_subcore>, window_params = [{transform_indices = #map}, {transform_indices = #map}]} {
    %lt3A = arith.constant 16 : i32
    %lt3A_0 = arith.cmpi slt, %arg1, %lt3A : i32
    %convert_element_type3A = arith.extui %lt3A_0 : i1 to i32
    %cond3A = arith.constant 0 : i32
    %cond3A_1 = arith.cmpi ne, %convert_element_type3A, %cond3A : i32
    scf.if %cond3A_1 {
      "tpu.region"() ({
        %run_scoped3A = tpu.sem_alloc : memref<!tpu.dma_semaphore, #tpu.memory_space<semaphore_mem>>
        %dma_start3A = arith.constant 0 : i32
        %dma_start3A_119 = tpu.memref_slice %arg2[%arg1, %dma_start3A] : memref<16x2048xi32, #tpu.memory_space<hbm>> -> memref<1x2048xi32, #tpu.memory_space<hbm>>
        %dma_start3A_120 = tpu.memref_squeeze %dma_start3A_119 : memref<1x2048xi32, #tpu.memory_space<hbm>> -> memref<2048xi32, #tpu.memory_space<hbm>>
        %dma_start3A_121 = arith.constant 0 : i32
        %dma_start3A_122 = tpu.memref_slice %arg2[%arg1, %dma_start3A_121] : memref<16x2048xi32, #tpu.memory_space<hbm>> -> memref<1x2048xi32, #tpu.memory_space<hbm>>
        %dma_start3A_123 = tpu.memref_squeeze %dma_start3A_122 : memref<1x2048xi32, #tpu.memory_space<hbm>> -> memref<2048xi32, #tpu.memory_space<hbm>>
        tpu.enqueue_dma source(%dma_start3A_123 : memref<2048xi32, #tpu.memory_space<hbm>>) target(%arg4 : memref<2048xi32, #tpu.memory_space<vmem>>) target_semaphore(%run_scoped3A : memref<!tpu.dma_semaphore, #tpu.memory_space<semaphore_mem>>)
        %dma_wait3A = arith.constant 0 : i32
        %dma_wait3A_124 = tpu.memref_slice %arg2[%arg1, %dma_wait3A] : memref<16x2048xi32, #tpu.memory_space<hbm>> -> memref<1x2048xi32, #tpu.memory_space<hbm>>
        %dma_wait3A_125 = tpu.memref_squeeze %dma_wait3A_124 : memref<1x2048xi32, #tpu.memory_space<hbm>> -> memref<2048xi32, #tpu.memory_space<hbm>>
        %dma_wait3A_126 = arith.constant 0 : i32
        %dma_wait3A_127 = tpu.memref_slice %arg2[%arg1, %dma_wait3A_126] : memref<16x2048xi32, #tpu.memory_space<hbm>> -> memref<1x2048xi32, #tpu.memory_space<hbm>>
        %dma_wait3A_128 = tpu.memref_squeeze %dma_wait3A_127 : memref<1x2048xi32, #tpu.memory_space<hbm>> -> memref<2048xi32, #tpu.memory_space<hbm>>
        tpu.wait_dma2 semaphore(%run_scoped3A : memref<!tpu.dma_semaphore, #tpu.memory_space<semaphore_mem>>) src(%dma_wait3A_128 : memref<2048xi32, #tpu.memory_space<hbm>>) dst(%arg4 : memref<2048xi32, #tpu.memory_space<vmem>>)
        tpu.yield
      }) : () -> ()
      %iota3A = tpu.iota {dimensions = array<i32: 0>} : vector<16xi32>
      %add3A = arith.constant 1 : i32
      %add3A_2 = vector.broadcast %add3A : i32 to vector<16xi32>
      %add3A_3 = arith.addi %iota3A, %add3A_2 : vector<16xi32>
      %broadcast_in_dim3A = arith.constant 0 : i32
      %broadcast_in_dim3A_4 = vector.broadcast %broadcast_in_dim3A : i32 to vector<16xi32>
      %broadcast_in_dim3A_5 = arith.constant -1 : i32
      %broadcast_in_dim3A_6 = vector.broadcast %broadcast_in_dim3A_5 : i32 to vector<16xi32>
      %get3A = arith.constant 0 : index
      %get3A_7 = tpu.vector_load %arg4[%get3A] {strides = array<i32>} : memref<2048xi32, #tpu.memory_space<vmem>>, vector<16xi32>,
      %sub3A = arith.constant 1 : i32
      %sub3A_8 = vector.broadcast %sub3A : i32 to vector<16xi32>
      %sub3A_9 = arith.subi %iota3A, %sub3A_8 : vector<16xi32>
      %max3A = arith.constant 0 : i32
      %max3A_10 = vector.broadcast %max3A : i32 to vector<16xi32>
      %max3A_11 = arith.maxsi %sub3A_9, %max3A_10 : vector<16xi32>
      %lt3A_12 = arith.constant 0 : i32
      %lt3A_13 = vector.broadcast %lt3A_12 : i32 to vector<16xi32>
      %lt3A_14 = arith.cmpi slt, %max3A_11, %lt3A_13 : vector<16xi32>
      %add3A_15 = arith.constant 16 : i32
      %add3A_16 = vector.broadcast %add3A_15 : i32 to vector<16xi32>
      %add3A_17 = arith.addi %max3A_11, %add3A_16 : vector<16xi32>
      %select_n3A = arith.select %lt3A_14, %add3A_17, %max3A_11 : vector<16xi1>, vector<16xi32>
      %broadcast_in_dim3A_18 = vector.shape_cast %select_n3A : vector<16xi32> to vector<16x1xi32>
      %gather3A = vector.shape_cast %broadcast_in_dim3A_18 : vector<16x1xi32> to vector<16xi32>
      %gather3A_19 = tpu.dynamic_gather %get3A_7[%gather3A] in [0] : vector<16xi32>, vector<16xi32> -> vector<16xi32>
      %eq3A = arith.constant 0 : i32
      %eq3A_20 = vector.broadcast %eq3A : i32 to vector<16xi32>
      %eq3A_21 = arith.cmpi eq, %iota3A, %eq3A_20 : vector<16xi32>
      %add3A_22 = arith.constant 0 : i32
      %add3A_23 = vector.broadcast %add3A_22 : i32 to vector<16xi32>
      %add3A_24 = arith.addi %add3A_3, %add3A_23 : vector<16xi32>
      %ne3A = arith.cmpi ne, %get3A_7, %gather3A_19 : vector<16xi32>
      %or3A = arith.ori %ne3A, %eq3A_21 : vector<16xi1>
      %jit3A = arith.constant 0 : i32
      %broadcast_in_dim3A_25 = vector.broadcast %jit3A : i32 to vector<16xi32>
      %select_n3A_26 = arith.select %or3A, %add3A_24, %broadcast_in_dim3A_25 : vector<16xi1>, vector<16xi32>
      %broadcast_in_dim3A_27 = arith.constant true
      %broadcast_in_dim3A_28 = vector.broadcast %broadcast_in_dim3A_27 : i1 to vector<16xi1>
      %masked_cummax3A = tpu.scan <max>, %select_n3A_26 masked %broadcast_in_dim3A_28 : vector<16xi32>, vector<16xi1> -> vector<16xi32>
      %max3A_29 = arith.maxui %masked_cummax3A, %broadcast_in_dim3A_4 : vector<16xi32>
      %sub3A_30 = arith.subi %add3A_24, %max3A_29 : vector<16xi32>
      %and3A = arith.constant 63 : i32
      %and3A_31 = vector.broadcast %and3A : i32 to vector<16xi32>
      %and3A_32 = arith.andi %sub3A_30, %and3A_31 : vector<16xi32>
      %eq3A_33 = arith.constant 0 : i32
      %eq3A_34 = vector.broadcast %eq3A_33 : i32 to vector<16xi32>
      %eq3A_35 = arith.cmpi eq, %and3A_32, %eq3A_34 : vector<16xi32>
      %jit3A_36 = arith.constant 1 : i32
      %jit3A_37 = arith.constant 0 : i32
      %broadcast_in_dim3A_38 = vector.broadcast %jit3A_36 : i32 to vector<16xi32>
      %broadcast_in_dim3A_39 = vector.broadcast %jit3A_37 : i32 to vector<16xi32>
      %select_n3A_40 = arith.select %eq3A_35, %broadcast_in_dim3A_38, %broadcast_in_dim3A_39 : vector<16xi1>, vector<16xi32>
      %broadcast_in_dim3A_41 = arith.constant true
      %broadcast_in_dim3A_42 = vector.broadcast %broadcast_in_dim3A_41 : i1 to vector<16xi1>
      %masked_cumsum3A = tpu.scan <sum>, %select_n3A_40 masked %broadcast_in_dim3A_42 : vector<16xi32>, vector<16xi1> -> vector<16xi32>
      %add3A_43 = arith.addi %masked_cumsum3A, %broadcast_in_dim3A_6 : vector<16xi32>
      %max3A_44 = arith.maxui %broadcast_in_dim3A_4, %select_n3A_26 : vector<16xi32>
      %swap3A = arith.constant 0 : index
      %swap3A_45 = tpu.vector_load %arg5[%swap3A] {strides = array<i32>} : memref<2048xi32, #tpu.memory_space<vmem>>, vector<16xi32>,
      tpu.vector_store %arg5[%swap3A], %add3A_43 {strides = array<i32>} : memref<2048xi32, #tpu.memory_space<vmem>>, vector<16xi32>,
      %broadcast_in_dim3A_46 = arith.constant 15 : i32
      %broadcast_in_dim3A_47 = vector.broadcast %broadcast_in_dim3A_46 : i32 to vector<16xi32>
      %lt3A_48 = arith.constant 0 : i32
      %lt3A_49 = vector.broadcast %lt3A_48 : i32 to vector<16xi32>
      %lt3A_50 = arith.cmpi slt, %broadcast_in_dim3A_47, %lt3A_49 : vector<16xi32>
      %add3A_51 = arith.constant 16 : i32
      %add3A_52 = vector.broadcast %add3A_51 : i32 to vector<16xi32>
      %add3A_53 = arith.addi %broadcast_in_dim3A_47, %add3A_52 : vector<16xi32>
      %select_n3A_54 = arith.select %lt3A_50, %add3A_53, %broadcast_in_dim3A_47 : vector<16xi1>, vector<16xi32>
      %broadcast_in_dim3A_55 = vector.shape_cast %select_n3A_54 : vector<16xi32> to vector<16x1xi32>
      %gather3A_56 = vector.shape_cast %broadcast_in_dim3A_55 : vector<16x1xi32> to vector<16xi32>
      %gather3A_57 = tpu.dynamic_gather %max3A_29[%gather3A_56] in [0] : vector<16xi32>, vector<16xi32> -> vector<16xi32>
      %broadcast_in_dim3A_58 = arith.constant 15 : i32
      %broadcast_in_dim3A_59 = vector.broadcast %broadcast_in_dim3A_58 : i32 to vector<16xi32>
      %lt3A_60 = arith.constant 0 : i32
      %lt3A_61 = vector.broadcast %lt3A_60 : i32 to vector<16xi32>
      %lt3A_62 = arith.cmpi slt, %broadcast_in_dim3A_59, %lt3A_61 : vector<16xi32>
      %add3A_63 = arith.constant 16 : i32
      %add3A_64 = vector.broadcast %add3A_63 : i32 to vector<16xi32>
      %add3A_65 = arith.addi %broadcast_in_dim3A_59, %add3A_64 : vector<16xi32>
      %select_n3A_66 = arith.select %lt3A_62, %add3A_65, %broadcast_in_dim3A_59 : vector<16xi1>, vector<16xi32>
      %broadcast_in_dim3A_67 = vector.shape_cast %select_n3A_66 : vector<16xi32> to vector<16x1xi32>
      %gather3A_68 = vector.shape_cast %broadcast_in_dim3A_67 : vector<16x1xi32> to vector<16xi32>
      %gather3A_69 = tpu.dynamic_gather %add3A_43[%gather3A_68] in [0] : vector<16xi32>, vector<16xi32> -> vector<16xi32>
      %parallel_loop3A = arith.constant 1 : i32
      %parallel_loop3A_70 = arith.constant 128 : i32
      %parallel_loop3A_71 = arith.constant 1 : i32
      %parallel_loop3A_72:3 = scf.for %parallel_loop3A_119 = %parallel_loop3A to %parallel_loop3A_70 step %parallel_loop3A_71 iter_args(%parallel_loop3A_120 = %gather3A_57, %parallel_loop3A_121 = %gather3A_69, %parallel_loop3A_122 = %max3A_44) -> (vector<16xi32>, vector<16xi32>, vector<16xi32>)  : i32 {
        %parallel_loop3A_123 = arith.constant 16 : i32
        %parallel_loop3A_124 = arith.muli %parallel_loop3A_119, %parallel_loop3A_123 : i32
        %parallel_loop3A_125 = arith.index_cast %parallel_loop3A_124 : i32 to index
        %parallel_loop3A_126 = tpu.vector_load %arg4[%parallel_loop3A_125] {strides = array<i32>} : memref<2048xi32, #tpu.memory_space<vmem>>, vector<16xi32>,
        %parallel_loop3A_127 = arith.constant 16 : i32
        %parallel_loop3A_128 = arith.muli %parallel_loop3A_119, %parallel_loop3A_127 : i32
        %parallel_loop3A_129 = arith.constant 1 : i32
        %parallel_loop3A_130 = arith.subi %parallel_loop3A_128, %parallel_loop3A_129 : i32
        %parallel_loop3A_131 = arith.index_cast %parallel_loop3A_130 : i32 to index
        %parallel_loop3A_132 = tpu.vector_load %arg4[%parallel_loop3A_131] {strides = array<i32>} : memref<2048xi32, #tpu.memory_space<vmem>>, vector<16xi32>,
        %parallel_loop3A_133 = arith.constant 16 : i32
        %parallel_loop3A_134 = arith.muli %parallel_loop3A_119, %parallel_loop3A_133 : i32
        %parallel_loop3A_135 = vector.broadcast %parallel_loop3A_134 : i32 to vector<16xi32>
        %parallel_loop3A_136 = arith.addi %add3A_3, %parallel_loop3A_135 : vector<16xi32>
        %parallel_loop3A_137 = arith.cmpi ne, %parallel_loop3A_126, %parallel_loop3A_132 : vector<16xi32>
        %parallel_loop3A_138 = arith.constant 0 : i32
        %parallel_loop3A_139 = vector.broadcast %parallel_loop3A_138 : i32 to vector<16xi32>
        %parallel_loop3A_140 = arith.select %parallel_loop3A_137, %parallel_loop3A_136, %parallel_loop3A_139 : vector<16xi1>, vector<16xi32>
        %parallel_loop3A_141 = arith.constant true
        %parallel_loop3A_142 = vector.broadcast %parallel_loop3A_141 : i1 to vector<16xi1>
        %parallel_loop3A_143 = tpu.scan <max>, %parallel_loop3A_140 masked %parallel_loop3A_142 : vector<16xi32>, vector<16xi1> -> vector<16xi32>
        %parallel_loop3A_144 = arith.maxui %parallel_loop3A_143, %parallel_loop3A_120 : vector<16xi32>
        %parallel_loop3A_145 = arith.subi %parallel_loop3A_136, %parallel_loop3A_144 : vector<16xi32>
        %parallel_loop3A_146 = arith.constant 63 : i32
        %parallel_loop3A_147 = vector.broadcast %parallel_loop3A_146 : i32 to vector<16xi32>
        %parallel_loop3A_148 = arith.andi %parallel_loop3A_145, %parallel_loop3A_147 : vector<16xi32>
        %parallel_loop3A_149 = arith.constant 0 : i32
        %parallel_loop3A_150 = vector.broadcast %parallel_loop3A_149 : i32 to vector<16xi32>
        %parallel_loop3A_151 = arith.cmpi eq, %parallel_loop3A_148, %parallel_loop3A_150 : vector<16xi32>
        %parallel_loop3A_152 = arith.constant 1 : i32
        %parallel_loop3A_153 = arith.constant 0 : i32
        %parallel_loop3A_154 = vector.broadcast %parallel_loop3A_152 : i32 to vector<16xi32>
        %parallel_loop3A_155 = vector.broadcast %parallel_loop3A_153 : i32 to vector<16xi32>
        %parallel_loop3A_156 = arith.select %parallel_loop3A_151, %parallel_loop3A_154, %parallel_loop3A_155 : vector<16xi1>, vector<16xi32>
        %parallel_loop3A_157 = arith.constant true
        %parallel_loop3A_158 = vector.broadcast %parallel_loop3A_157 : i1 to vector<16xi1>
        %parallel_loop3A_159 = tpu.scan <sum>, %parallel_loop3A_156 masked %parallel_loop3A_158 : vector<16xi32>, vector<16xi1> -> vector<16xi32>
        %parallel_loop3A_160 = arith.addi %parallel_loop3A_159, %parallel_loop3A_121 : vector<16xi32>
        %parallel_loop3A_161 = arith.maxui %parallel_loop3A_122, %parallel_loop3A_140 : vector<16xi32>
        %parallel_loop3A_162 = arith.constant 16 : i32
        %parallel_loop3A_163 = arith.muli %parallel_loop3A_119, %parallel_loop3A_162 : i32
        %parallel_loop3A_164 = arith.index_cast %parallel_loop3A_163 : i32 to index
        %parallel_loop3A_165 = tpu.vector_load %arg5[%parallel_loop3A_164] {strides = array<i32>} : memref<2048xi32, #tpu.memory_space<vmem>>, vector<16xi32>,
        tpu.vector_store %arg5[%parallel_loop3A_164], %parallel_loop3A_160 {strides = array<i32>} : memref<2048xi32, #tpu.memory_space<vmem>>, vector<16xi32>,
        %parallel_loop3A_166 = arith.constant 15 : i32
        %parallel_loop3A_167 = vector.broadcast %parallel_loop3A_166 : i32 to vector<16xi32>
        %parallel_loop3A_168 = arith.constant 0 : i32
        %parallel_loop3A_169 = vector.broadcast %parallel_loop3A_168 : i32 to vector<16xi32>
        %parallel_loop3A_170 = arith.cmpi slt, %parallel_loop3A_167, %parallel_loop3A_169 : vector<16xi32>
        %parallel_loop3A_171 = arith.constant 16 : i32
        %parallel_loop3A_172 = vector.broadcast %parallel_loop3A_171 : i32 to vector<16xi32>
        %parallel_loop3A_173 = arith.addi %parallel_loop3A_167, %parallel_loop3A_172 : vector<16xi32>
        %parallel_loop3A_174 = arith.select %parallel_loop3A_170, %parallel_loop3A_173, %parallel_loop3A_167 : vector<16xi1>, vector<16xi32>
        %parallel_loop3A_175 = vector.shape_cast %parallel_loop3A_174 : vector<16xi32> to vector<16x1xi32>
        %parallel_loop3A_176 = vector.shape_cast %parallel_loop3A_175 : vector<16x1xi32> to vector<16xi32>
        %parallel_loop3A_177 = tpu.dynamic_gather %parallel_loop3A_144[%parallel_loop3A_176] in [0] : vector<16xi32>, vector<16xi32> -> vector<16xi32>
        %parallel_loop3A_178 = arith.constant 15 : i32
        %parallel_loop3A_179 = vector.broadcast %parallel_loop3A_178 : i32 to vector<16xi32>
        %parallel_loop3A_180 = arith.constant 0 : i32
        %parallel_loop3A_181 = vector.broadcast %parallel_loop3A_180 : i32 to vector<16xi32>
        %parallel_loop3A_182 = arith.cmpi slt, %parallel_loop3A_179, %parallel_loop3A_181 : vector<16xi32>
        %parallel_loop3A_183 = arith.constant 16 : i32
        %parallel_loop3A_184 = vector.broadcast %parallel_loop3A_183 : i32 to vector<16xi32>
        %parallel_loop3A_185 = arith.addi %parallel_loop3A_179, %parallel_loop3A_184 : vector<16xi32>
        %parallel_loop3A_186 = arith.select %parallel_loop3A_182, %parallel_loop3A_185, %parallel_loop3A_179 : vector<16xi1>, vector<16xi32>
        %parallel_loop3A_187 = vector.shape_cast %parallel_loop3A_186 : vector<16xi32> to vector<16x1xi32>
        %parallel_loop3A_188 = vector.shape_cast %parallel_loop3A_187 : vector<16x1xi32> to vector<16xi32>
        %parallel_loop3A_189 = tpu.dynamic_gather %parallel_loop3A_160[%parallel_loop3A_188] in [0] : vector<16xi32>, vector<16xi32> -> vector<16xi32>
        scf.yield %parallel_loop3A_177, %parallel_loop3A_189, %parallel_loop3A_161 : vector<16xi32>, vector<16xi32>, vector<16xi32>
      } {sc.loop_unroll_factor = 4 : i64, sc.parallel_access}
      %get3A_73 = arith.constant 2032 : index
      %get3A_74 = tpu.vector_load %arg4[%get3A_73] {strides = array<i32>} : memref<2048xi32, #tpu.memory_space<vmem>>, vector<16xi32>,
      %eq3A_75 = arith.constant 15 : i32
      %eq3A_76 = vector.broadcast %eq3A_75 : i32 to vector<16xi32>
      %eq3A_77 = arith.cmpi eq, %iota3A, %eq3A_76 : vector<16xi32>
      %jit3A_78 = arith.constant 0 : i32
      %broadcast_in_dim3A_79 = vector.broadcast %jit3A_78 : i32 to vector<16xi32>
      %select_n3A_80 = arith.select %eq3A_77, %get3A_74, %broadcast_in_dim3A_79 : vector<16xi1>, vector<16xi32>
      %reduce_max3A = arith.constant true
      %reduce_max3A_81 = vector.broadcast %reduce_max3A : i1 to vector<16xi1>
      %reduce_max3A_82 = arith.constant -2147483648 : i32
      %reduce_max3A_83 = vector.broadcast %reduce_max3A_82 : i32 to vector<16xi32>
      %reduce_max3A_84 = arith.xori %select_n3A_80, %reduce_max3A_83 : vector<16xi32>
      %reduce_max3A_85 = tpu.scan <max>, %reduce_max3A_84 masked %reduce_max3A_81 : vector<16xi32>, vector<16xi1> -> vector<16xi32>
      %reduce_max3A_86 = arith.xori %reduce_max3A_85, %reduce_max3A_83 : vector<16xi32>
      %reduce_max3A_87 = vector.extract %reduce_max3A_86[15] : i32 from vector<16xi32>
      %eq3A_88 = arith.constant 1 : i32
      %eq3A_89 = arith.cmpi eq, %reduce_max3A_87, %eq3A_88 : i32
      %reduce_max3A_90 = arith.constant true
      %reduce_max3A_91 = vector.broadcast %reduce_max3A_90 : i1 to vector<16xi1>
      %reduce_max3A_92 = tpu.scan <max>, %parallel_loop3A_72#2 masked %reduce_max3A_91 : vector<16xi32>, vector<16xi1> -> vector<16xi32>
      %reduce_max3A_93 = vector.extract %reduce_max3A_92[15] : i32 from vector<16xi32>
      %jit3A_94 = arith.constant 2048 : i32
      %select_n3A_95 = arith.select %eq3A_89, %jit3A_94, %reduce_max3A_93 : i32
      %jit3A_96 = arith.constant 16 : i32
      %div3A = arith.divsi %select_n3A_95, %jit3A_96 : i32
      %sign3A = arith.constant 0 : i32
      %sign3A_97 = arith.cmpi sgt, %select_n3A_95, %sign3A : i32
      %sign3A_98 = arith.extui %sign3A_97 : i1 to i32
      %sign3A_99 = arith.constant 0 : i32
      %sign3A_100 = arith.cmpi slt, %select_n3A_95, %sign3A_99 : i32
      %sign3A_101 = arith.extui %sign3A_100 : i1 to i32
      %sign3A_102 = arith.subi %sign3A_98, %sign3A_101 : i32
      %sign3A_103 = arith.constant 0 : i32
      %sign3A_104 = arith.cmpi sgt, %jit3A_96, %sign3A_103 : i32
      %sign3A_105 = arith.extui %sign3A_104 : i1 to i32
      %sign3A_106 = arith.constant 0 : i32
      %sign3A_107 = arith.cmpi slt, %jit3A_96, %sign3A_106 : i32
      %sign3A_108 = arith.extui %sign3A_107 : i1 to i32
      %sign3A_109 = arith.subi %sign3A_105, %sign3A_108 : i32
      %ne3A_110 = arith.cmpi ne, %sign3A_102, %sign3A_109 : i32
      %rem3A = arith.remsi %select_n3A_95, %jit3A_96 : i32
      %ne3A_111 = arith.constant 0 : i32
      %ne3A_112 = arith.cmpi ne, %rem3A, %ne3A_111 : i32
      %and3A_113 = arith.andi %ne3A_110, %ne3A_112 : i1
      %sub3A_114 = arith.constant 1 : i32
      %sub3A_115 = arith.subi %div3A, %sub3A_114 : i32
      %select_n3A_116 = arith.select %and3A_113, %sub3A_115, %div3A : i32
      %parallel_loop3A_117 = arith.constant 128 : i32
      %parallel_loop3A_118 = arith.constant 1 : i32
      scf.for %parallel_loop3A_119 = %select_n3A_116 to %parallel_loop3A_117 step %parallel_loop3A_118  : i32 {
        %parallel_loop3A_120 = arith.constant 16 : i32
        %parallel_loop3A_121 = arith.muli %parallel_loop3A_119, %parallel_loop3A_120 : i32
        %parallel_loop3A_122 = vector.broadcast %parallel_loop3A_121 : i32 to vector<16xi32>
        %parallel_loop3A_123 = arith.addi %iota3A, %parallel_loop3A_122 : vector<16xi32>
        %parallel_loop3A_124 = arith.constant 16 : i32
        %parallel_loop3A_125 = arith.muli %parallel_loop3A_119, %parallel_loop3A_124 : i32
        %parallel_loop3A_126 = arith.index_cast %parallel_loop3A_125 : i32 to index
        %parallel_loop3A_127 = tpu.vector_load %arg5[%parallel_loop3A_126] {strides = array<i32>} : memref<2048xi32, #tpu.memory_space<vmem>>, vector<16xi32>,
        %parallel_loop3A_128 = vector.broadcast %select_n3A_95 : i32 to vector<16xi32>
        %parallel_loop3A_129 = arith.cmpi slt, %parallel_loop3A_123, %parallel_loop3A_128 : vector<16xi32>
        %parallel_loop3A_130 = arith.constant -1 : i32
        %parallel_loop3A_131 = vector.broadcast %parallel_loop3A_130 : i32 to vector<16xi32>
        %parallel_loop3A_132 = arith.select %parallel_loop3A_129, %parallel_loop3A_127, %parallel_loop3A_131 : vector<16xi1>, vector<16xi32>
        %parallel_loop3A_133 = arith.constant 16 : i32
        %parallel_loop3A_134 = arith.muli %parallel_loop3A_119, %parallel_loop3A_133 : i32
        %parallel_loop3A_135 = arith.index_cast %parallel_loop3A_134 : i32 to index
        %parallel_loop3A_136 = tpu.vector_load %arg5[%parallel_loop3A_135] {strides = array<i32>} : memref<2048xi32, #tpu.memory_space<vmem>>, vector<16xi32>,
        tpu.vector_store %arg5[%parallel_loop3A_135], %parallel_loop3A_132 {strides = array<i32>} : memref<2048xi32, #tpu.memory_space<vmem>>, vector<16xi32>,
      } {sc.loop_unroll_factor = 1 : i64, sc.parallel_access}
      "tpu.region"() ({
        %run_scoped3A = tpu.sem_alloc : memref<!tpu.dma_semaphore, #tpu.memory_space<semaphore_mem>>
        %dma_start3A = arith.constant 0 : i32
        %dma_start3A_119 = tpu.memref_slice %arg3[%arg1, %dma_start3A] : memref<16x2048xi32, #tpu.memory_space<hbm>> -> memref<1x2048xi32, #tpu.memory_space<hbm>>
        %dma_start3A_120 = tpu.memref_squeeze %dma_start3A_119 : memref<1x2048xi32, #tpu.memory_space<hbm>> -> memref<2048xi32, #tpu.memory_space<hbm>>
        %dma_start3A_121 = arith.constant 0 : i32
        %dma_start3A_122 = tpu.memref_slice %arg3[%arg1, %dma_start3A_121] : memref<16x2048xi32, #tpu.memory_space<hbm>> -> memref<1x2048xi32, #tpu.memory_space<hbm>>
        %dma_start3A_123 = tpu.memref_squeeze %dma_start3A_122 : memref<1x2048xi32, #tpu.memory_space<hbm>> -> memref<2048xi32, #tpu.memory_space<hbm>>
        tpu.enqueue_dma source(%arg5 : memref<2048xi32, #tpu.memory_space<vmem>>) target(%dma_start3A_123 : memref<2048xi32, #tpu.memory_space<hbm>>) target_semaphore(%run_scoped3A : memref<!tpu.dma_semaphore, #tpu.memory_space<semaphore_mem>>)
        %dma_wait3A = arith.constant 0 : i32
        %dma_wait3A_124 = tpu.memref_slice %arg3[%arg1, %dma_wait3A] : memref<16x2048xi32, #tpu.memory_space<hbm>> -> memref<1x2048xi32, #tpu.memory_space<hbm>>
        %dma_wait3A_125 = tpu.memref_squeeze %dma_wait3A_124 : memref<1x2048xi32, #tpu.memory_space<hbm>> -> memref<2048xi32, #tpu.memory_space<hbm>>
        %dma_wait3A_126 = arith.constant 0 : i32
        %dma_wait3A_127 = tpu.memref_slice %arg3[%arg1, %dma_wait3A_126] : memref<16x2048xi32, #tpu.memory_space<hbm>> -> memref<1x2048xi32, #tpu.memory_space<hbm>>
        %dma_wait3A_128 = tpu.memref_squeeze %dma_wait3A_127 : memref<1x2048xi32, #tpu.memory_space<hbm>> -> memref<2048xi32, #tpu.memory_space<hbm>>
        tpu.wait_dma2 semaphore(%run_scoped3A : memref<!tpu.dma_semaphore, #tpu.memory_space<semaphore_mem>>) src(%arg5 : memref<2048xi32, #tpu.memory_space<vmem>>) dst(%dma_wait3A_128 : memref<2048xi32, #tpu.memory_space<hbm>>)
        tpu.yield
      }) : () -> ()
    } else {
    }
    return
  }
}

</mosaic_0001>

<sc_bundles>
// kernel: kernel.3.cloned.1.call-start
scs
__scs_entry_jumppad:
0x0: {  	(pc) =	sbr.rel $0x88, $3  }
0x1: {  	(tag) =	ssettag $0x0;
	lr =	simm.s32 $0x1  }
0x2: {  	[smem:$0x3FA0] =	sst lr;
	_ =	strace $0xD0000000  }
0x3: {  	_ = 	snop  }
0x4: {  	_ = 	snop  }
0x5: {  	_ = 	snop  }
0x6: {  	_ = 	snop  }
0x7: {  	_ = 	snop  }
__scs_overlays_trampoline_lowered:
0x8: {  	[smem:$0x3FAF] =	sst s0  }
0x9: {  	[smem:$0x3FB0] =	sst s1  }
0xa: {  	[smem:$0x3FB1] =	sst s2  }
0xb: {  	[smem:$0x3FB2] =	sst s3  }
0xc: {  	[smem:$0x3FB3] =	sst s4  }
0xd: {  	[smem:$0x3FB4] =	sst s5  }
0xe: {  	[smem:$0x3FB5] =	sst s6  }
0xf: {  	[smem:$0x3FB6] =	sst s7  }
0x10: {  	[smem:$0x3FB7] =	sst s8  }
0x11: {  	[smem:$0x3FB8] =	sst s9;
	s0 =	simm.s32 @!p0 $0x0  }
0x12: {  	s1 =	sld [smem:$0x3F9E];
	s0 =	simm.s32 @p0 $0x1  }
0x13: {  	[smem:$0x3FB9] =	sst s0;
	s0 =	simm.s32 @!p1 $0x0  }
0x14: {  	s2 =	sld [smem:$0x3F9D];
	s0 =	simm.s32 @p1 $0x1  }
0x15: {  	[smem:$0x3FBA] =	sst s0;
	s0 =	simm.s32 @!p2 $0x0  }
0x16: {  	s3 =	sld [smem:$0x3FDB];
	s0 =	simm.s32 @p2 $0x1  }
0x17: {  	s4 =	simm.s32 $0x1BF5;
	[smem:$0x3FBC] =	sst s0  }
0x18: {  	s0 =	sld [smem:$0x3F9F];
	_ =	swait.ge [sflag:s4], $0x0  }
0x19: {  	s7 =	sld [smem:$0x3FA0]  }
0x1a: {  	s8 =	sadd.s32 $0xFFFFE003, lr  }
0x1b: {  	s9 =	sadd.s32 $0xFFFFFEF7, lr;
	s5 =	simm.s32 $0xFFFFFFFF;
	p2 =	slt.u32 s8, $0xFFFFF086  }
0x1c: {  	p1 =	slt.u32 s9, $0xF7A;
	s5 =	simm.s32 @!p2 $0x0  }
0x1d: {  	s5 =	simm.s32 @p1 $0x1;
	p0 =	seq.s32 s7, s2  }
0x1e: {  	s7 =	smul.u32 @!p0 $0xF7A, s2;
	p2 =	seq.s32 @!p0 s5, $0x0  }
0x1f: {  	s9 =	smul.u32 $0xF7A, s1;
	s8 =	simm.s32 @!p0 $0x1BF5;
	p2 =	por !p2, p0  }
0x20: {  	[sflag:s8] =	ssyncset.s32 @!p0 $0xFFFFF086;
	s6 =	sadd.s32 @!p0 s3, s7;
	s7 =	simm.s32 @!p0 $0x108  }
0x21: {  	s3 =	sadd.s32 s3, s9;
	s6 =	sadd.s32 @!p0 $0x88, s6;
	s7 =	simm.s32 @p2 $0x1082  }
0x22: {  	[simem:s7], [sflag:s8] =	dma.local @!p0 [hbm:s6], $0xF7A  }
0x23: {  	s9 =	sor.u32 $0xD0000000, s2;
	s6 =	simm.s32 $0x108;
	_ =	swait.ge @!p0 [sflag:s8], $0x0  }
0x24: {  	s3 =	sadd.s32 $0x88, s3;
	s6 =	simm.s32 @!p1 $0x1082;
	[sflag:s4] =	ssyncset.s32 $0xFFFFF086  }
0x25: {  	[simem:s6], [sflag:s4] =	dma.local [hbm:s3], $0xF7A  }
0x26: {  	[smem:$0x3FA0] =	sst s1;
	(tag) =	ssettag s2;
	_ =	strace s9  }
0x27: {  	s1 =	sld [smem:$0x3FB0]  }
0x28: {  	s2 =	sld [smem:$0x3FB1]  }
0x29: {  	s4 =	sld [smem:$0x3FB3]  }
0x2a: {  	p0 =	seq.s32 s5, $0x0;
	s5 =	sld [smem:$0x3FB4]  }
0x2b: {  	s6 =	sld [smem:$0x3FB5]  }
0x2c: {  	s7 =	sld [smem:$0x3FB6]  }
0x2d: {  	s3 =	simm.s32 $0x108;
	s8 =	sld [smem:$0x3FB7]  }
0x2e: {  	s3 =	simm.s32 @!p0 $0x1082;
	s9 =	sld [smem:$0x3FB8]  }
0x2f: {  	lr =	sadd.s32 s0, s3;
	s0 =	sld [smem:$0x3FAF]  }
0x30: {  	s3 =	sld [smem:$0x3FB2]  }
0x31: {  	[smem:$0x3FBB] =	sst s10  }
0x32: {  	s10 =	sld [smem:$0x3FB9];
	_ =	sdelay $0x3  }
0x33: {  	p0 =	seq.s32 s10, $0x1;
	s10 =	sld [smem:$0x3FBB];
	_ =	sdelay $0x3  }
0x34: {  	[smem:$0x3FBB] =	sst s10  }
0x35: {  	s10 =	sld [smem:$0x3FBA];
	_ =	sdelay $0x3  }
0x36: {  	p1 =	seq.s32 s10, $0x1;
	s10 =	sld [smem:$0x3FBB];
	_ =	sdelay $0x3  }
0x37: {  	[smem:$0x3FBB] =	sst s10  }
0x38: {  	s10 =	sld [smem:$0x3FBC]  }
0x39: {  	_ = 	snop;
	(pc) =	sbr.ind lr, $3  }
0x3a: {  	_ = 	snop  }
0x3b: {  	_ = 	snop  }
0x3c: {  	p2 =	seq.s32 s10, $0x1;
	s10 =	sld [smem:$0x3FBB]  }
0x3d: {  	_ =	shalt  }
0x3e: {  	_ =	shalt  }
0x3f: {  	_ =	shalt  }
0x40: {  	_ =	shalt  }
0x41: {  	_ =	shalt  }
0x42: {  	_ =	shalt  }
0x43: {  	_ =	shalt  }
0x44: {  	_ =	shalt  }
0x45: {  	_ =	shalt  }
0x46: {  	_ =	shalt  }
0x47: {  	_ =	shalt  }
0x48: {  	_ =	shalt  }
0x49: {  	_ =	shalt  }
0x4a: {  	_ =	shalt  }
0x4b: {  	_ =	shalt  }
0x4c: {  	_ =	shalt  }
0x4d: {  	_ =	shalt  }
0x4e: {  	_ =	shalt  }
0x4f: {  	_ =	shalt  }
0x50: {  	_ =	shalt  }
0x51: {  	_ =	shalt  }
0x52: {  	_ =	shalt  }
0x53: {  	_ =	shalt  }
0x54: {  	_ =	shalt  }
0x55: {  	_ =	shalt  }
0x56: {  	_ =	shalt  }
0x57: {  	_ =	shalt  }
0x58: {  	_ =	shalt  }
0x59: {  	_ =	shalt  }
0x5a: {  	_ =	shalt  }
0x5b: {  	_ =	shalt  }
0x5c: {  	_ =	shalt  }
0x5d: {  	_ =	shalt  }
0x5e: {  	_ =	shalt  }
0x5f: {  	_ =	shalt  }
0x60: {  	_ =	shalt  }
0x61: {  	_ =	shalt  }
0x62: {  	_ =	shalt  }
0x63: {  	_ =	shalt  }
0x64: {  	_ =	shalt  }
0x65: {  	_ =	shalt  }
0x66: {  	_ =	shalt  }
0x67: {  	_ =	shalt  }
0x68: {  	_ =	shalt  }
0x69: {  	_ =	shalt  }
0x6a: {  	_ =	shalt  }
0x6b: {  	_ =	shalt  }
0x6c: {  	_ =	shalt  }
0x6d: {  	_ =	shalt  }
0x6e: {  	_ =	shalt  }
0x6f: {  	_ =	shalt  }
0x70: {  	_ =	shalt  }
0x71: {  	_ =	shalt  }
0x72: {  	_ =	shalt  }
0x73: {  	_ =	shalt  }
0x74: {  	_ =	shalt  }
0x75: {  	_ =	shalt  }
0x76: {  	_ =	shalt  }
0x77: {  	_ =	shalt  }
0x78: {  	_ =	shalt  }
0x79: {  	_ =	shalt  }
0x7a: {  	_ =	shalt  }
0x7b: {  	_ =	shalt  }
0x7c: {  	_ =	shalt  }
0x7d: {  	_ =	shalt  }
0x7e: {  	_ =	shalt  }
0x7f: {  	_ =	shalt  }
0x80: {  	_ =	shalt  }
0x81: {  	_ =	shalt  }
0x82: {  	_ =	shalt  }
0x83: {  	_ =	shalt  }
0x84: {  	_ =	shalt  }
0x85: {  	_ =	shalt  }
0x86: {  	_ =	shalt  }
0x87: {  	_ =	shalt  }
.Lfunc_end0:
.L_simem_size_0:
called_computation_lowered:
.L_overlay_start_0:
0x88: {  	s0 =	sld [smem:$0x3FD9]  }
0x89: {  	s1 =	sld [smem:$0x3FFE];
	_ =	sdelay $0x3  }
0x8a: {  	s0 =	sadd.s32 s1, s0  }
0x8b: {  	[smem:$0x3FC7] =	sst s0  }
0x8c: {  	_ = 	snop  }
0x8d: {  	s0 =	sld [smem:$0x3FC9]  }
0x8e: {  	s17 =	sld [smem:$0x3FD0];
	(tm) =	ssettm $0x1  }
0x8f: {  	s2 =	sld [smem:$0x3FFB];
	_ =	sdelay $0x3  }
0x90: {  	_ =	strace s2  }
0x91: {  	s2 =	sld [smem:$0x3FFC];
	_ =	sdelay $0x3  }
0x92: {  	_ =	strace s2  }
0x93: {  	s2 =	sld [smem:$0x3FFD];
	_ =	sdelay $0x3  }
0x94: {  	_ =	strace s2  }
0x95: {  	_ =	strace $0x8FFFFFFF  }
0x96: {  	s18 =	sld [smem:$0x3FDB];
	_ =	sdelay $0x1  }
0x97: {  	s3 =	simm.s32 $_scs_section_size  }
0x98: {  	s4 =	simm.s32 $_size__tile_overlayer_lowered;
	s5 =	simm.s32 $_tile_overlayer_lowered  }
0x99: {  	s21 =	simm.s32 $0x1BFF;
	s20 =	sshll.u32 s5, $0x1;
	s2 =	sadd.s32 s3, s18  }
0x9a: {  	s6 =	simm.s32 $0x0;
	s19 =	sshll.u32 s4, $0x1;
	s4 =	sadd.s32 s20, s2  }
0x9b: {  	[timem:s6], [sflag:s21] =	dma.local [hbm:s4], s19  }
0x9c: {  	_ =	swait.ge [sflag:s21], s19  }
0x9d: {  	s3 =	ssub.s32 $0x0, s19;
	[sflag:s21] =	ssyncset.done $0x0  }
0x9e: {  	[sflag:s21] =	ssyncadd.s32 s3;
	_ =	sdelay $0x1  }
0x9f: {  	s22 =	simm.s32 $0x1B8B  }
0xa0: {  	_ =	swait.ge [sflag:s22], $0x1  }
0xa1: {  	[sflag:s22] =	ssyncset.done $0x0  }
0xa2: {  	s23 =	simm.s32 $0x1B8E;
	[sflag:s22] =	ssyncadd.s32 $0xFFFFFFFF  }
0xa3: {  	s24 =	simm.s32 $execute0_lowered;
	[smem:$0x3FD2] =	sst s23  }
0xa4: {  	s3 =	sshll.u32 s24, $0x1;
	_ =	strace $0x80000046;
	[dreg:$0x1] =	wrdreg $0xFFFFFFFF  }
0xa5: {  	s25 =	simm.s32 $_size_execute0_lowered;
	s2 =	sadd.s32 s2, s3;
	[dreg:$0x0] =	wrdreg $0x0  }
0xa6: {  	s3 =	sshll.u32 s25, $0x1;
	[dreg:$0x2] =	wrdreg s2  }
0xa7: {  	[dreg:$0x3] =	wrdreg s3  }
0xa8: {  	[dreg:$0x4] =	wrdreg $0xC0  }
0xa9: {  	_ =	task [dreg:s6], $0x5FFFF  }
0xaa: {  	[dreg:$0x1] =	wrdreg $0xFFFFFFFF  }
0xab: {  	[dreg:$0x0] =	wrdreg $0x60  }
0xac: {  	[dreg:$0x2] =	wrdreg s0  }
0xad: {  	[dreg:$0x3] =	wrdreg s17  }
0xae: {  	[dreg:$0x4] =	wrdreg $0x9  }
0xaf: {  	_ =	task.clear_ibuf [dreg:s6], $0x5FFFF;
	_ =	strace $0x90000046  }
0xb0: {  	s26 =	simm.s32 $0x9;
	_ =	strace $0x80000048  }
0xb1: {  	_ =	swait.ge [sflag:s26], $0x1  }
0xb2: {  	[sflag:s26] =	ssyncadd.s32 $0xFFFFFFFF  }
0xb3: {  	_ =	strace $0x90000048  }
0xb4: {  	_ =	sfence  }
0xb5: {  	s28 =	sld [smem:$0x0];
	_ =	sdelay $0x1  }
0xb6: {  	s29 =	srdreg.scid  }
0xb7: {  	s30 =	sshll.u32 s29, $0xD;
	s31 =	sshrl.u32 s29, $0x2  }
0xb8: {  	s1 =	sand.u32 $0x1, s29;
	s2 =	sand.u32 $0x4000, s30;
	s0 =	sadd.s32 s31, s28  }
0xb9: {  	s1 =	sor.u32 s2, s1;
	s0 =	sshll.u32 s0, $0x11  }
0xba: {  	s0 =	sor.u32 s0, s1  }
0xbb: {  	s0 =	sadd.s32 $0x8F2B, s0  }
0xbc: {  	[sflag:s0] =	ssyncadd.remote.s32 $0x1  }
0xbd: {  	_ =	sfence.sel $0xFFFF  }
0xbe: {  	[dreg:$0x0] =	wrdreg $0xFFFFFFFF;
	(pc) =	sbr.abs _section_cstart, $3  }
0xbf: {  	[dreg:$0x1] =	wrdreg $0xFFFFFFFF  }
0xc0: {  	_ =	task.clear_ibuf [dreg:s6], $0x2FFFF;
	_ =	strace $0x9FFFFFFF  }
0xc1: {  	(tm) =	ssettm $0x7FFFFFFF  }
tec
execute0_lowered:
.L_overlay_start_1:
0x0: {  	(tag) =	ssettag $0x1  }
0x1: {  	s4 =	rddreg [dreg:$0x0]  }
0x2: {  	s2 =	rddreg [dreg:$0x1];
	s1 =	stileid.u32  }
0x3: {  	s0 =	rddreg [dreg:$0x2];
	s3 =	sshll.u32 s1, $0x8;
	s6 =	sshll.u32 s1, $0x4  }
0x4: {  	s5 =	simm.s32 $0x0;
	s15 =	simm.s32 $0x80;
	s3 =	sor.u32 s6, s3  }
0x5: {  	s7 =	simm.s32 $0x400;
	[smem:$0x7FF] =	sst s5;
	s3 =	sand.u32 $0x870, s3  }
0x6: {  	s16 =	simm.s32 $0x1;
	_ =	strace $0x80000047;
	s4 =	sadd.s32 s4, s3  }
0x7: {  	[tilespmem:s5], [sflag:$0x1] =	stream.strided.gather [hbm4b:s4+s15], $0x800, s7, s15, $0x38;
	[tilespmem:$0x1000] =	vst v63  }
0x8: {  	v0 =	vimm.s32 $0xEDCBA987;
	_ =	swait.ge [sflag:s16], $0x800  }
0x9: {  	v1 =	vimm.s32 $0x65432100;
	v0 =	vunpack.c.l.s4.s8 v0;
	[sflag:s16] =	ssyncset.done $0x0  }
0xa: {  	v1 =	vunpack.c.l.s4.s8 v1;
	[sflag:s16] =	ssyncadd.s32 $0xFFFFF800  }
0xb: {  	v0 =	vunpack.c.0.s8.s32 v0;
	v2 =	vld [tilespmem:$0x0]  }
0xc: {  	v1 =	vunpack.c.0.s8.s32 v1  }
0xd: {  	v0 =	vand.u32 $0xF, v0  }
0xe: {  	v0 =	vcombine.low v1, v0;
	_ =	sdelay $0x1  }
0xf: {  	v1 =	vperm.xlane v2, v0  }
0x10: {  	vm0 =	vcmask $0x300;
	v3 =	vlaneseq.u32;
	v0 =	vimm.s32 $0x0  }
0x11: {  	vm1 =	veq.s32 v2, v1;
	v1 =	vsel vm0, $0x1, v0;
	v2 =	vadd.s32 $0x1, v3  }
0x12: {  	v3 =	vsel vm1, v1, v2  }
0x13: {  	(xrf0) =	vmax.scan.msk.u32 $0xffff, v3;
	_ =	sdelay $0x5  }
0x14: {  	v4, _, _ =	vpop (xrf0)  }
0x15: {  	v1 =	vsub.s32 v2, v4  }
0x16: {  	v1 =	vand.u32 $0x3F, v1  }
0x17: {  	vm0 =	veq.s32 v1, $0x0  }
0x18: {  	v1 =	vsel vm0, $0x1, v0  }
0x19: {  	(xrf0) =	vadd.scan.msk.s32 $0xffff, v1;
	_ =	sdelay $0x5  }
0x1a: {  	v1, _, _ =	vpop (xrf0)  }
0x1b: {  	v5 =	vadd.s32 $0xFFFFFFFF, v1  }
0x1c: {  	s17 =	simm.s32 $0x20;
	[tilespmem:$0x800] =	vst v5  }
0x1d: {  	v1 =	vld [tilespmem:s17+$0xFFFFFFF0]  }
0x1e: {  	v6 =	vld [tilespmem:s17+$0xFFFFFFFF]  }
0x1f: {  	v7 =	vld [tilespmem:s17+$0x0]  }
0x20: {  	v8 =	vld [tilespmem:s17+$0xFFFFFFEF];
	_ =	sdelay $0x2  }
0x21: {  	s18 =	simm.s32 $0x20  }
0x22: {  	s19 =	simm.s32 $0x10;
	v9 =	vadd.s32 s18, v2;
	v10 =	vld [tilespmem:s17+$0x10];
	vm0 =	veq.s32 v7, v6  }
0x23: {  	v12 =	vld [tilespmem:s17+$0x1F];
	v6 =	vadd.s32 s19, v2;
	vm1 =	veq.s32 v1, v8;
	v8 =	vsel vm0, $0x0, v9  }
0x24: {  	s20 =	simm.s32 $0x60;
	v7 =	vld [tilespmem:s17+$0xF];
	v11 =	vsel vm1, $0x0, v6;
	(xrf0) =	vmax.scan.msk.u32 $0xffff, v8  }
0x25: {  	v14 =	vld [tilespmem:s20+$0xFFFFFFF0];
	(xrf0) =	vmax.scan.msk.u32 $0xffff, v11  }
0x26: {  	v18 =	vld [tilespmem:s20+$0xFFFFFFEF]  }
0x27: {  	v13 =	vld [tilespmem:s17+$0x20]  }
0x28: {  	s21 =	simm.s32 $0x30;
	v15 =	vld [tilespmem:s20+$0xFFFFFFFF]  }
0x29: {  	v16 =	vadd.s32 s21, v2;
	v1 =	vimm.s32 $0xF;
	vm0 =	veq.s32 v10, v7;
	v7 =	vld [tilespmem:s20+$0x0]  }
0x2a: {  	v4 =	vperm.xlane v4, v1;
	v3 =	vmax.u32 v3, v11;
	v10 =	vsel vm0, $0x0, v16;
	v17, _, _ =	vpop (xrf0)  }
0x2b: {  	s23 =	simm.s32 $0x40;
	v19 =	vperm.xlane v5, v1;
	vm1 =	veq.s32 v14, v18;
	v3 =	vmax.u32 v3, v8;
	v5, _, _ =	vpop (xrf0);
	(xrf0) =	vmax.scan.msk.u32 $0xffff, v10  }
0x2c: {  	vm0 =	veq.s32 v13, v12;
	v4 =	vmax.u32 v5, v4;
	v5 =	vadd.s32 s23, v2  }
0x2d: {  	s22 =	simm.s32 $0x60;
	v6 =	vsub.s32 v6, v4;
	v4 =	vperm.xlane v4, v1;
	v11 =	vsel vm0, $0x0, v5  }
0x2e: {  	s24 =	simm.s32 $0x50;
	v20 =	vld [tilespmem:s20+$0xF];
	v12 =	vadd.s32 s22, v2;
	vm0 =	veq.s32 v7, v15;
	v6 =	vand.u32 $0x3F, v6;
	(xrf0) =	vmax.scan.msk.u32 $0xffff, v11  }
0x2f: {  	v13 =	vadd.s32 s24, v2;
	v7 =	vld [tilespmem:s20+$0x10];
	v14 =	vsel vm0, $0x0, v12;
	v4 =	vmax.u32 v17, v4  }
0x30: {  	s25 =	simm.s32 $0x70;
	v3 =	vmax.u32 v3, v10;
	v10 =	vld [tilespmem:s20+$0x20];
	v15 =	vsel vm1, $0x0, v13;
	(xrf0) =	vmax.scan.msk.u32 $0xffff, v14;
	v8 =	vperm.xlane v4, v1  }
0x31: {  	v57 =	vadd.s32 s25, v2;
	v17 =	vld [tilespmem:s20+$0x1F];
	vm0 =	veq.s32 v6, $0x0;
	(xrf0) =	vmax.scan.msk.u32 $0xffff, v15;
	v6, _, _ =	vpop (xrf0)  }
0x32: {  	v21 =	vsel vm0, $0x1, v0;
	v4 =	vsub.s32 v9, v4;
	v6 =	vmax.u32 v6, v8  }
0x33: {  	v9 =	vmax.u32 v3, v11;
	v4 =	vand.u32 $0x3F, v4;
	v8 =	vperm.xlane v6, v1  }
0x34: {  	v9 =	vmax.u32 v9, v15;
	vm0 =	veq.s32 v4, $0x0;
	vm1 =	veq.s32 v7, v20;
	v3, _, _ =	vpop (xrf0)  }
0x35: {  	s26 =	simm.s32 $0xA0;
	v6 =	vsub.s32 v16, v6;
	v7 =	vsel vm1, $0x0, v57;
	v3 =	vmax.u32 v3, v8  }
0x36: {  	v15 =	vld [tilespmem:s26+$0xFFFFFFEF];
	v4 =	vand.u32 $0x3F, v6;
	vm1 =	veq.s32 v10, v17;
	v10, _, _ =	vpop (xrf0);
	v6 =	vperm.xlane v3, v1  }
0x37: {  	s29 =	simm.s32 $0x80;
	v9 =	vmax.u32 v9, v14;
	v16 =	vld [tilespmem:s26+$0x0];
	(xrf0) =	vmax.scan.msk.u32 $0xffff, v7;
	v11, _, _ =	vpop (xrf0)  }
0x38: {  	v17 =	vadd.s32 s29, v2;
	vm2 =	veq.s32 v4, $0x0;
	v4 =	vld [tilespmem:s26+$0xFFFFFFFF];
	v6 =	vmax.u32 v11, v6  }
0x39: {  	v8 =	vld [tilespmem:s26+$0xFFFFFFF0];
	v5 =	vsub.s32 v5, v3;
	(xrf0) =	vadd.scan.msk.s32 $0xffff, v21;
	v13 =	vsub.s32 v13, v6;
	v58 =	vperm.xlane v6, v1  }
0x3a: {  	v3 =	vand.u32 $0x3F, v5;
	v5 =	vsel vm0, $0x1, v0;
	v13 =	vand.u32 $0x3F, v13  }
0x3b: {  	v14 =	vsel vm1, $0x0, v17;
	(xrf0) =	vadd.scan.msk.s32 $0xffff, v5;
	vm1 =	veq.s32 v13, $0x0;
	v13 =	vmax.u32 v10, v58  }
0x3c: {  	(xrf0) =	vmax.scan.msk.u32 $0xffff, v14;
	v60 =	vperm.xlane v13, v1  }
0x3d: {  	v11 =	vsel vm2, $0x1, v0;
	v22, _, _ =	vpop (xrf0);
	vm2 =	veq.s32 v16, v4;
	v10 =	vsel vm1, $0x1, v0  }
0x3e: {  	v59 =	vld [tilespmem:s26+$0xF];
	vm1 =	veq.s32 v8, v15;
	v12 =	vsub.s32 v12, v13;
	v15 =	vmax.u32 v22, v60  }
0x3f: {  	s28 =	simm.s32 $0xA0;
	s30 =	simm.s32 $0x90;
	v61 =	vld [tilespmem:s26+$0x20];
	v16, _, _ =	vpop (xrf0);
	(xrf0) =	vadd.scan.msk.s32 $0xffff, v11;
	v11 =	vand.u32 $0x3F, v12;
	v12 =	vperm.xlane v15, v1;
	v15 =	vsub.s32 v57, v15  }
0x40: {  	vm0 =	veq.s32 v3, $0x0;
	v3 =	vadd.s32 s28, v2;
	v6 =	vadd.s32 s30, v2;
	v8 =	vld [tilespmem:s26+$0x10]  }
0x41: {  	v9 =	vmax.u32 v9, v7;
	v4 =	vsel vm2, $0x0, v3;
	v13 =	vld [tilespmem:s26+$0x1F];
	v7 =	vsel vm1, $0x0, v6;
	v62, _, _ =	vpop (xrf0)  }
0x42: {  	v16 =	vadd.s32 v19, v16;
	(xrf0) =	vmax.scan.msk.u32 $0xffff, v4;
	vm2 =	veq.s32 v11, $0x0;
	v11 =	vand.u32 $0x3F, v15;
	v15, _, _ =	vpop (xrf0)  }
0x43: {  	v9 =	vmax.u32 v9, v14;
	v14 =	vperm.xlane v16, v1;
	(xrf0) =	vmax.scan.msk.u32 $0xffff, v7;
	v12 =	vmax.u32 v15, v12  }
0x44: {  	s31 =	simm.s32 $0xB0;
	v63 =	vsel vm0, $0x1, v0;
	v15 =	vsub.s32 v17, v12  }
0x45: {  	s4 =	simm.s32 $0x820;
	v5 =	vadd.s32 s31, v2;
	(xrf0) =	vadd.scan.msk.s32 $0xffff, v63;
	v14 =	vadd.s32 v14, v62  }
0x46: {  	s8 =	simm.s32 $0x100;
	s9 =	simm.s32 $0xE0;
	vm0 =	veq.s32 v8, v59;
	vm1 =	veq.s32 v61, v13;
	[tilespmem:s4+$0x0] =	vst v14;
	v14 =	vperm.xlane v14, v1  }
0x47: {  	s6 =	simm.s32 $0xC0;
	s7 =	simm.s32 $0x9;
	s5 =	simm.s32 $0x820;
	[tilespmem:s4+$0xFFFFFFF0] =	vst v16;
	v8 =	vsel vm0, $0x0, v5;
	v12 =	vperm.xlane v12, v1;
	v13 =	vand.u32 $0x3F, v15;
	v15, _, _ =	vpop (xrf0)  }
.LBB2_1:
0x48: {  	v16 =	vld [tilespmem:s9+$0xFFFFFFF0];
	s10 =	sadd.s32 $0xFFFFFFE0, s8;
	s7 =	sadd.s32 $0x4, s7;
	v17, _, _ =	vpop (xrf0);
	v18 =	vsel vm2, $0x1, v0;
	vm2 =	veq.s32 v11, $0x0;
	vm0 =	veq.s32 v13, $0x0;
	s4 =	sadd.s32 $0x40, s4  }
0x49: {  	v7 =	vmax.u32 v9, v7;
	v11 =	vld [tilespmem:s9+$0xFFFFFFFF];
	v13 =	vadd.s32 s10, v2;
	p0 =	slt.u32 s7, $0x79;
	v9, _, _ =	vpop (xrf0);
	(xrf0) =	vmax.scan.msk.u32 $0xffff, v8;
	v19 =	vsel vm2, $0x1, v0  }
0x4a: {  	v14 =	vadd.s32 v14, v15;
	v20 =	vld [tilespmem:s9+$0x0];
	v9 =	vmax.u32 v9, v12;
	v12 =	vadd.s32 s6, v2;
	s6 =	smov.u32 s8  }
0x4b: {  	v15 =	vld [tilespmem:s9+$0xFFFFFFEF];
	v6 =	vsub.s32 v6, v9;
	v9 =	vperm.xlane v9, v1;
	(xrf0) =	vadd.scan.msk.s32 $0xffff, v10;
	v10 =	vperm.xlane v14, v1  }
0x4c: {  	s11 =	sadd.s32 $0xFFFFFFF0, s8;
	s10 =	sadd.s32 $0xFFFFFFD0, s8;
	v4 =	vmax.u32 v7, v4;
	v22 =	vsel vm1, $0x0, v12;
	v21 =	vand.u32 $0x3F, v6;
	[tilespmem:s5+$0x10] =	vst v14;
	v7, _, _ =	vpop (xrf0)  }
0x4d: {  	v6 =	vadd.s32 s10, v2;
	v14 =	vadd.s32 s11, v2;
	(xrf0) =	vadd.scan.msk.s32 $0xffff, v18;
	v7 =	vadd.s32 v10, v7  }
0x4e: {  	v8 =	vmax.u32 v4, v8;
	vm1 =	veq.s32 v21, $0x0;
	v9 =	vmax.u32 v17, v9;
	(xrf0) =	vmax.scan.msk.u32 $0xffff, v22  }
0x4f: {  	v10 =	vsel vm1, $0x1, v0;
	v18 =	vperm.xlane v9, v1;
	v23 =	vperm.xlane v7, v1;
	v17 =	vld [tilespmem:s9+$0xF];
	v21, _, _ =	vpop (xrf0);
	[tilespmem:s5+$0x20] =	vst v7;
	s5 =	smov.u32 s4  }
0x50: {  	v9 =	vsub.s32 v3, v9;
	v3 =	vmovc v13;
	vm2 =	veq.s32 v20, v11;
	vm1 =	veq.s32 v16, v15;
	v15 =	vld [tilespmem:s9+$0x10]  }
0x51: {  	v4 =	vsel vm2, $0x0, v3;
	v11 =	vmax.u32 v21, v18;
	v7 =	vsel vm1, $0x0, v6;
	v13 =	vld [tilespmem:s9+$0x1F];
	v16, _, _ =	vpop (xrf0);
	(xrf0) =	vadd.scan.msk.s32 $0xffff, v19  }
0x52: {  	v19 =	vand.u32 $0x3F, v9;
	v20 =	vperm.xlane v11, v1;
	v18 =	vld [tilespmem:s9+$0x20];
	(xrf0) =	vmax.scan.msk.u32 $0xffff, v4;
	v16 =	vadd.s32 v23, v16  }
.Ltmp0:
0x53: {  	v9 =	vmax.u32 v8, v22;
	v23 =	vsub.s32 v5, v11;
	(xrf0) =	vmax.scan.msk.u32 $0xffff, v7;
	v8 =	vperm.xlane v16, v1;
	v21, _, _ =	vpop (xrf0);
	(pc) =	sbr.rel @p0 .LBB2_1-.Ltmp0, $4  }
0x54: {  	vm2 =	veq.s32 v19, $0x0;
	v11 =	vand.u32 $0x3F, v23;
	v5, _, _ =	vpop (xrf0);
	[tilespmem:s4+$0xFFFFFFF0] =	vst v16;
	v16 =	vsel vm0, $0x1, v0  }
0x55: {  	vm0 =	veq.s32 v15, v17;
	v19 =	vmax.u32 v5, v20;
	v17 =	vadd.s32 v8, v21;
	v5 =	vmovc v14  }
0x56: {  	v8 =	vsel vm0, $0x0, v5;
	v14 =	vsub.s32 v12, v19;
	v12 =	vperm.xlane v19, v1;
	(xrf0) =	vadd.scan.msk.s32 $0xffff, v16  }
0x57: {  	s8 =	sadd.s32 $0x40, s8;
	s9 =	sadd.s32 $0x40, s9;
	vm1 =	veq.s32 v18, v13;
	v13 =	vand.u32 $0x3F, v14;
	[tilespmem:s4+$0x0] =	vst v17;
	v14 =	vperm.xlane v17, v1;
	v15, _, _ =	vpop (xrf0)  }
0x58: {  	(xrf0) =	vmax.scan.msk.u32 $0xffff, v8  }
0x59: {  	(xrf0) =	vadd.scan.msk.s32 $0xffff, v10  }
0x5a: {  	v43, _, _ =	vpop (xrf0);
	v14 =	vadd.s32 v14, v15  }
0x5b: {  	v44 =	vsel vm2, $0x1, v0;
	v16, _, _ =	vpop (xrf0);
	v17 =	vperm.xlane v14, v1  }
0x5c: {  	v2 =	vadd.s32 s6, v2;
	(xrf0) =	vadd.scan.msk.s32 $0xffff, v44;
	v18, _, _ =	vpop (xrf0)  }
0x5d: {  	vm0 =	veq.s32 v11, $0x0;
	v45 =	vsel vm1, $0x0, v2;
	v46 =	vadd.s32 v17, v18  }
0x5e: {  	v47 =	vsel vm0, $0x1, v0;
	v12 =	vmax.u32 v16, v12;
	(xrf0) =	vmax.scan.msk.u32 $0xffff, v45;
	v48, _, _ =	vpop (xrf0);
	v19 =	vperm.xlane v46, v1  }
0x5f: {  	vm11 =	veq.s32 v13, $0x0;
	v51 =	vperm.xlane v12, v1;
	(xrf0) =	vadd.scan.msk.s32 $0xffff, v47;
	v49, _, _ =	vpop (xrf0)  }
0x60: {  	v53 =	vsel vm11, $0x1, v0;
	v6 =	vsub.s32 v6, v12;
	v50 =	vadd.s32 v19, v49  }
0x61: {  	v6 =	vand.u32 $0x3F, v6;
	v10 =	vmax.u32 v43, v51;
	v52 =	vperm.xlane v50, v1  }
0x62: {  	vm12 =	veq.s32 v6, $0x0;
	v6 =	vperm.xlane v10, v1;
	v3 =	vsub.s32 v3, v10;
	v54, _, _ =	vpop (xrf0);
	(xrf0) =	vadd.scan.msk.s32 $0xffff, v53  }
0x63: {  	v55 =	vsel vm12, $0x1, v0;
	v3 =	vand.u32 $0x3F, v3;
	v12 =	vadd.s32 v52, v54  }
0x64: {  	v6 =	vmax.u32 v48, v6;
	vm13 =	veq.s32 v3, $0x0;
	v56, _, _ =	vpop (xrf0);
	v57 =	vperm.xlane v12, v1  }
0x65: {  	(xrf0) =	vadd.scan.msk.s32 $0xffff, v55;
	v3 =	vperm.xlane v6, v1;
	v5 =	vsub.s32 v5, v6;
	v6 =	vsel vm13, $0x1, v0;
	v58, _, _ =	vpop (xrf0)  }
0x66: {  	v16 =	vadd.s32 v57, v58  }
0x67: {  	v17 =	vperm.xlane v16, v1  }
0x68: {  	v5 =	vand.u32 $0x3F, v5;
	(xrf0) =	vadd.scan.msk.s32 $0xffff, v6;
	v6, _, _ =	vpop (xrf0)  }
0x69: {  	v3 =	vmax.u32 v56, v3;
	vm14 =	veq.s32 v5, $0x0;
	v5 =	vadd.s32 v17, v6  }
0x6a: {  	v2 =	vsub.s32 v2, v3;
	v6 =	vsel vm14, $0x1, v0;
	v59 =	vperm.xlane v5, v1  }
0x6b: {  	v2 =	vand.u32 $0x3F, v2;
	v60, _, _ =	vpop (xrf0);
	(xrf0) =	vadd.scan.msk.s32 $0xffff, v6  }
0x6c: {  	vm15 =	veq.s32 v2, $0x0;
	v2 =	vadd.s32 v59, v60  }
0x6d: {  	v0 =	vsel vm15, $0x1, v0;
	v6 =	vperm.xlane v2, v1  }
0x6e: {  	[tilespmem:s5+$0x10] =	vst v14;
	v61, _, _ =	vpop (xrf0);
	(xrf0) =	vadd.scan.msk.s32 $0xffff, v0  }
0x6f: {  	s4 =	sadd.s32 $0x40, s4;
	[tilespmem:s5+$0x20] =	vst v46;
	v6 =	vadd.s32 v6, v61  }
0x70: {  	[tilespmem:s4+$0xFFFFFFF0] =	vst v50;
	v0 =	vperm.xlane v6, v1  }
0x71: {  	[tilespmem:s4+$0x0] =	vst v12;
	v62, _, _ =	vpop (xrf0)  }
0x72: {  	v7 =	vmax.u32 v9, v7;
	[tilespmem:s4+$0x10] =	vst v16;
	v63 =	vadd.s32 v0, v62  }
0x73: {  	s31 =	sadd.s32 $0x40, s4;
	[tilespmem:s4+$0x20] =	vst v5;
	v0 =	vmax.u32 v7, v4;
	v4 =	vperm.xlane v63, v1  }
0x74: {  	[tilespmem:s31+$0xFFFFFFF0] =	vst v2;
	v2, _, _ =	vpop (xrf0)  }
0x75: {  	v5 =	vperm.xlane v3, v1;
	v3 =	vimm.s32 $0x0;
	[tilespmem:s31+$0x0] =	vst v6;
	v4 =	vadd.s32 v4, v2  }
0x76: {  	v0 =	vmax.u32 v0, v8;
	[tilespmem:s31+$0x10] =	vst v63;
	v2 =	vperm.xlane v4, v1;
	v1 =	vlaneseq.u32  }
0x77: {  	s6 =	simm.s32 $0x7D0;
	s5 =	simm.s32 $0xFD0;
	s4 =	simm.s32 $0x7D0;
	v0 =	vmax.u32 v0, v45;
	[tilespmem:s31+$0x20] =	vst v4;
	v4 =	vimm.s32 $0xF;
	v1 =	vadd.s32 $0x1, v1  }
.LBB2_3:
0x78: {  	v6 =	vld [tilespmem:s4+$0x0]  }
0x79: {  	v7 =	vld [tilespmem:s4+$0xFFFFFFFF];
	_ =	sdelay $0x4  }
0x7a: {  	v8 =	vadd.s32 s6, v1;
	vm0 =	veq.s32 v6, v7  }
0x7b: {  	v6 =	vsel vm0, $0x0, v8  }
0x7c: {  	(xrf0) =	vmax.scan.msk.u32 $0xffff, v6;
	_ =	sdelay $0x5  }
0x7d: {  	v7, _, _ =	vpop (xrf0)  }
0x7e: {  	v5 =	vmax.u32 v7, v5  }
0x7f: {  	v7 =	vsub.s32 v8, v5  }
0x80: {  	v7 =	vand.u32 $0x3F, v7  }
0x81: {  	vm15 =	veq.s32 v7, $0x0  }
0x82: {  	v7 =	vsel vm15, $0x1, v3  }
0x83: {  	(xrf0) =	vadd.scan.msk.s32 $0xffff, v7;
	_ =	sdelay $0x2  }
0x84: {  	p0 =	sne.s32 s6, $0x7F0  }
.Ltmp1:
0x85: {  	_ = 	snop;
	(pc) =	sbr.rel @p0 .LBB2_3-.Ltmp1, $4  }
0x86: {  	_ = 	snop  }
0x87: {  	v7, _, _ =	vpop (xrf0)  }
0x88: {  	v2 =	vadd.s32 v2, v7  }
0x89: {  	s4 =	sadd.s32 $0x10, s4;
	s6 =	sadd.s32 $0x10, s6;
	v0 =	vmax.u32 v0, v6;
	v5 =	vperm.xlane v5, v4;
	[tilespmem:s5+$0x0] =	vst v2;
	v2 =	vperm.xlane v2, v4;
	s5 =	sadd.s32 $0x10, s5  }
0x8a: {  	v1 =	vld [tilespmem:$0x7F0];
	_ =	sdelay $0x3  }
0x8b: {  	vm0 =	vmmov $0x7fff  }
0x8c: {  	v1 =	vsel vm0, $0x0, v1  }
0x8d: {  	v1 =	vxor.u32 $0x80000000, v1  }
0x8e: {  	(xrf0) =	vmax.scan.msk.u32 $0xffff, v1  }
0x8f: {  	(xrf0) =	vmax.scan.msk.u32 $0xffff, v0;
	_ =	sdelay $0x4  }
0x90: {  	v62, _, _ =	vpop (xrf0)  }
0x91: {  	(v2sf) =	vpush v62, $0xF;
	v63, _, _ =	vpop (xrf0)  }
0x92: {  	(v2sf) =	vpush v63, $0xF;
	_ =	sdelay $0xd  }
0x93: {  	s4 =	spop (v2sf)  }
0x94: {  	p0 =	seq.s32 s4, $0x80000001;
	s6 =	spop (v2sf)  }
0x95: {  	s6 =	simm.s32 @p0 $0x800  }
0x96: {  	s30 =	sand.u32 $0xF, s6  }
0x97: {  	s5 =	sshra.s32 s6, $0x1F;
	p0 =	slt.s32 s6, $0x1;
	p1 =	sne.s32 s30, $0x0  }
0x98: {  	s31 =	sshrl.u32 s5, $0x1C;
	p0 =	por !p0, !p1  }
0x99: {  	s5 =	simm.s32 $0x1;
	s4 =	sadd.s32 s31, s6;
	p0 =	por !p0, !p0  }
0x9a: {  	s4 =	sshra.s32 s4, $0x4;
	s5 =	simm.s32 @!p0 $0x0  }
0x9b: {  	s7 =	ssub.s32 s4, s5  }
0x9c: {  	p0 =	sgt.s32 s7, $0x7F  }
.Ltmp2:
0x9d: {  	_ = 	snop;
	(pc) =	sbr.rel @p0 .LBB2_8-.Ltmp2, $2  }
0x9e: {  	_ =	sdelay $0x2  }
0x9f: {  	s3 =	sadd.s32 s2, s3;
	s2 =	simm.s32 $0x1  }
0xa0: {  	s4 =	sshll.u32 s7, $0x6  }
0xa1: {  	s4 =	sshra.s32 s4, $0x2  }
0xa2: {  	s31 =	ssub.s32 $0x80, s7;
	s4 =	sadd.s32 $0x800, s4  }
0xa3: {  	p0 =	sne.s32 s31, $0x1;
	v2 =	vld [tilespmem:s4+$0x0]  }
.Ltmp3:
0xa4: {  	_ = 	snop;
	(pc) =	sbr.rel @!p0 .LBB2_7-.Ltmp3, $4  }
0xa5: {  	s5 =	sshll.u32 s7, $0x4;
	v0 =	vlaneseq.u32  }
0xa6: {  	v1 =	vmov s6;
	v3 =	vor.u32 s5, v0  }
0xa7: {  	vm0 =	vlt.s32 v3, v1  }
0xa8: {  	s6 =	sadd.s32 $0xFFFFFFFF, s31;
	s7 =	sadd.s32 $0x10, s4;
	v2 =	vnsel vm0, $0xFFFFFFFF, v2  }
.LBB2_6:
0xa9: {  	v3 =	vld [tilespmem:s7+$0x0];
	p0 =	sne.s32 s6, $0x1;
	s6 =	sadd.s32 $0xFFFFFFFF, s6;
	[tilespmem:s4+$0x0] =	vst v2;
	s4 =	smov.u32 s7  }
.Ltmp4:
0xaa: {  	(pc) =	sbr.rel @p0 .LBB2_6-.Ltmp4, $4  }
0xab: {  	s5 =	sadd.s32 $0x10, s5  }
0xac: {  	v2 =	vor.u32 s5, v0  }
0xad: {  	vm0 =	vlt.s32 v2, v1  }
0xae: {  	s7 =	sadd.s32 $0x10, s7;
	v2 =	vnsel vm0, $0xFFFFFFFF, v3  }
.LBB2_7:
0xaf: {  	[tilespmem:s4+$0x0] =	vst v2  }
.LBB2_8:
0xb0: {  	s4 =	simm.s32 $0x80;
	s5 =	simm.s32 $0x400;
	s6 =	simm.s32 $0x800  }
0xb1: {  	[hbm4b:s3+s4] =	stream.strided.scatter [tilespmem:s6], [sflag:$0x1], $0x800, s5, s4, $0x38;
	[tilespmem:$0x1000] =	vst v63  }
0xb2: {  	_ =	swait.ge [sflag:s2], $0x800  }
0xb3: {  	[sflag:s2] =	ssyncset.done $0x0  }
0xb4: {  	[sflag:s2] =	ssyncadd.s32 $0xFFFFF800  }
0xb5: {  	_ =	sfence.sel $0x180000  }
0xb6: {  	[bflag:$0x0] =	sbarrier.arrive $0xFFFF  }
0xb7: {  	p0 =	sne.s32 s1, $0x0;
	_ =	strace $0x90000047  }
0xb8: {  	s0 =	sadd.s32 @!p0 $0x100000, s0;
	[bflag:$0x2] =	sbarrier.arrive $0xFFFF  }
0xb9: {  	[sflag:s0] =	ssyncadd.tile.s32 @!p0 $0x1;
	_ =	shalt  }
.Lfunc_end2:
_tile_overlayer_lowered:
.L_overlay_start_2:
0xba: {  	(tag) =	ssettag $0x2  }
0xbb: {  	s0 =	rddreg [dreg:$0x0];
	s2 =	stileid.u32  }
0xbc: {  	s1 =	rddreg [dreg:$0x1];
	p0 =	sne.s32 s2, $0x0  }
0xbd: {  	s3 =	rddreg [dreg:$0x2];
	[bflag:$0x3] =	sbarrier.arrive $0xFFFF;
	s2 =	simm.s32 @!p0 $0x1C01  }
0xbe: {  	[timem:s3], [sflag:s2] =	dma.local @!p0 [hbm:s0], s1  }
0xbf: {  	s0 =	simm.s32 @!p0 $0x1  }
0xc0: {  	_ =	swait.ge @!p0 [sflag:s0], s1  }
0xc1: {  	s1 =	ssub.s32 @!p0 $0x0, s1;
	[sflag:s0] =	ssyncset.done @!p0 $0x0  }
0xc2: {  	[sflag:s0] =	ssyncadd.s32 @!p0 s1  }
0xc3: {  	[bflag:$0x3] =	sbarrier.arrive $0xFFFF  }
0xc4: {  	_ =	shalt  }

</sc_bundles>
